<compile_context>
chip_gen: v7x
topology: tpu7x:2x2x1
jax: 0.10.2.dev20260603
libtpu: 0.0.44.dev20260713+nightly
codegen_flags: <defaults>
</compile_context>

<pallas_src>
import functools

import jax
import jax.numpy as jnp
from jax import lax
from jax.experimental import pallas as pl
from jax.experimental.pallas import tpu as pltpu
from jax.experimental.pallas import tpu_sc as plsc

B, L, K, AA = 8, 512, 30, 20
S = B * L
BLK = AA * AA

NC, NS, LANES = 2, 16, 16

NW_E = NS
SPW_E = S // NW_E


def _eaa_body(eidx_hbm, ref_hbm, out_hbm, eidx_v, ref_v, out_v, sem):
    wid = lax.axis_index("s")
    wbase = wid * SPW_E
    b = wid // (L // SPW_E)
    l0 = (wid % (L // SPW_E)) * SPW_E
    b512 = b * L
    pltpu.sync_copy(eidx_hbm.at[pl.ds(wbase * K, SPW_E * K)], eidx_v)
    pltpu.sync_copy(ref_hbm, ref_v)

    lane = lax.iota(jnp.int32, LANES)

    def kbody(k, _):
        def gbody(g, _):
            sl = g * LANES + lane
            eidx = plsc.load_gather(eidx_v, [sl * K + k])
            out_v[k, pl.ds(g * LANES, LANES)] = plsc.load_gather(
                ref_v, [eidx + b512])
            return 0
        lax.fori_loop(0, SPW_E // LANES, gbody, 0)
        return 0

    lax.fori_loop(0, K, kbody, 0)
    pltpu.sync_copy(out_v, out_hbm.at[b, :, pl.ds(l0, SPW_E)])


_EAA_CACHE = []


def _sc_eaa(*args):
    if not _EAA_CACHE:
        _EAA_CACHE.append(functools.partial(
            pl.kernel,
            out_type=jax.ShapeDtypeStruct((B, K, L), jnp.int32),
            mesh=plsc.VectorSubcoreMesh(core_axis_name="c",
                                        subcore_axis_name="s",
                                        num_cores=1, num_subcores=NS),
            scratch_types=[
                pltpu.VMEM((SPW_E * K,), jnp.int32),
                pltpu.VMEM((S,), jnp.int32),
                pltpu.VMEM((K, SPW_E), jnp.int32),
                pltpu.SemaphoreType.DMA,
            ],
            compiler_params=pltpu.CompilerParams(needs_layout_passes=False),
        )(_eaa_body))
    return _EAA_CACHE[0](*args)


KB = 15


def _tc_body(eaa_ref, etab_ref, out_ref):
    kk = pl.program_id(1)
    jrow = lax.broadcasted_iota(jnp.int32, (BLK, L), 0)
    jm = jrow % AA
    diag = jm == jrow // AA
    acc = None
    for dk in range(KB):
        e = etab_ref[0, dk]
        eaa = eaa_ref[0, 0, dk]
        sel = jnp.where(jm == eaa[None, :], e, 0.0)
        if dk == 0:
            sel = jnp.where(kk == 0, jnp.where(diag, e, 0.0), sel)
        acc = sel if dk == 0 else acc + sel
    seg = (lax.broadcasted_iota(jnp.int32, (AA, BLK), 1) // AA ==
           lax.broadcasted_iota(jnp.int32, (AA, BLK), 0)).astype(jnp.float32)
    contrib = jnp.dot(seg, acc, preferred_element_type=jnp.float32)

    @pl.when(kk == 0)
    def _():
        out_ref[...] = contrib[None]

    @pl.when(kk > 0)
    def _():
        out_ref[...] += contrib[None]


def _tc_gather(eaa, etab_t):
    return pl.pallas_call(
        _tc_body,
        grid=(B, K // KB),
        in_specs=[
            pl.BlockSpec((1, 1, KB, L), lambda b, k: (b, k, 0, 0)),
            pl.BlockSpec((1, KB, BLK, L), lambda b, k: (b, k, 0, 0)),
        ],
        out_specs=pl.BlockSpec((1, AA, L), lambda b, k: (b, 0, 0)),
        out_shape=jax.ShapeDtypeStruct((B, AA, L), jnp.float32),
    )(eaa.reshape(B, K // KB, KB, L), etab_t)


def _fin_body(aa_ref, ref_ref, mask_ref, out_ref):
    neg = -aa_ref[...]
    m = jnp.max(neg, axis=1, keepdims=True)
    lse = jnp.log(jnp.sum(jnp.exp(neg - m), axis=1)) + m[:, 0, :]
    r = ref_ref[...]
    sel = lax.broadcasted_iota(jnp.int32, (B, AA, L), 1) == r[:, None, :]
    picked = jnp.sum(jnp.where(sel, neg, 0.0), axis=1)
    mask = mask_ref[...]
    num = jnp.sum((picked - lse) * mask, axis=1, keepdims=True)
    den = jnp.sum(mask, axis=1, keepdims=True)
    out_ref[0, 0] = -jnp.sum(num / den) / B


_finish = pl.pallas_call(
    _fin_body,
    out_shape=jax.ShapeDtypeStruct((1, 1), jnp.float32),
    out_specs=pl.BlockSpec(memory_space=pltpu.SMEM),
)


def kernel(etab, E_idx, ref_seqs, x_mask):
    etab_t = jnp.transpose(etab, (0, 2, 3, 1))
    eaa = _sc_eaa(E_idx.reshape(-1), ref_seqs.reshape(-1))
    aa_nrgs = _tc_gather(eaa, etab_t)
    out = _finish(aa_nrgs, ref_seqs, x_mask)
    return out[0, 0]

# --- scband reference (transcript-rebuilt; emitter-appended) ---
"""Pipeline reference for scband-terminator-9320079033224 (READ-ONLY COPY).

The authoritative reference and input builder live on the scoring server;
editing this copy changes nothing except your own understanding.
"""

import jax, jax.numpy as jnp
import numpy as np


def setup_inputs(seed: int = 0) -> dict:
    key = jax.random.key(seed)
    k1, k2, k3 = jax.random.split(key, 3)
    B, L, K = 8, 512, 30
    etab = jax.random.normal(k1, (B, L, K, 400), dtype=jnp.float32)
    E_idx = jax.random.randint(k2, (B, L, K), 0, L, dtype=jnp.int32)
    ref_seqs = jax.random.randint(k3, (B, L), 0, 20, dtype=jnp.int32)
    x_mask = jnp.ones((B, L), dtype=jnp.float32)
    return {"etab": etab, "E_idx": E_idx, "ref_seqs": ref_seqs, "x_mask": x_mask}


def reference(etab, E_idx, ref_seqs, x_mask):
    # Faithful translation of TERMinator._nlpl (negative log pseudo-likelihood)
    B, L, K, _ = etab.shape
    etab = etab.reshape(B, L, K, 20, 20)
    self_etab = etab[:, :, 0:1]            # [B, L, 1, 20, 20]
    pair_etab = etab[:, :, 1:]             # [B, L, K-1, 20, 20]
    # E_aa = gather(ref_seqs expanded, dim=1, index=E_idx[:, :, 1:])
    ref_exp = jnp.broadcast_to(ref_seqs[:, :, None], (B, L, K - 1))
    E_aa = jnp.take_along_axis(ref_exp, E_idx[:, :, 1:], axis=1)  # [B, L, K-1]
    E_aa5 = jnp.broadcast_to(E_aa[:, :, :, None, None], (B, L, K - 1, 20, 1))
    pair_nrgs = jnp.take_along_axis(pair_etab, E_aa5, axis=4).squeeze(-1)  # [B, L, K-1, 20]
    self_nrgs = jnp.diagonal(self_etab, offset=0, axis1=-2, axis2=-1)      # [B, L, 1, 20]
    edge_nrgs = jnp.concatenate([self_nrgs, pair_nrgs], axis=2)            # [B, L, K, 20]
    aa_nrgs = jnp.sum(edge_nrgs, axis=2)                                   # [B, L, 20]
    all_aa_probs = jax.nn.softmax(-aa_nrgs, axis=2)
    seqs_probs = jnp.take_along_axis(all_aa_probs, ref_seqs[:, :, None], axis=2).squeeze(-1)
    log_probs = jnp.log(seqs_probs) * x_mask
    n_res = jnp.sum(x_mask, axis=-1)
    nlpl = jnp.sum(log_probs, axis=-1) / n_res
    return -jnp.mean(nlpl)

if __name__ == "__main__":
    import jax
    _d = setup_inputs()
    print(jax.jit(kernel)(*tuple(_d.values())))

</pallas_src>

<mosaic_0001>
#map = affine_map<(d0, d1) -> (0)>
#map1 = affine_map<(d0, d1) -> (0, 0, 0)>
module attributes {stable_mosaic.version = 14 : i64} {
  func.func @_eaa_body(%arg0: i32, %arg1: i32, %arg2: memref<122880xi32, #tpu.memory_space<hbm>>, %arg3: memref<4096xi32, #tpu.memory_space<hbm>>, %arg4: memref<8x30x512xi32, #tpu.memory_space<hbm>>, %arg5: memref<7680xi32, #tpu.memory_space<vmem>>, %arg6: memref<4096xi32, #tpu.memory_space<vmem>>, %arg7: memref<30x256xi32, #tpu.memory_space<vmem>>, %arg8: memref<!tpu.dma_semaphore, #tpu.memory_space<semaphore_mem>>) attributes {dimension_semantics = [#tpu.dimension_semantics<core_parallel>, #tpu.dimension_semantics<subcore_parallel>], iteration_bounds = array<i64: 1, 16>, scalar_prefetch = 0 : i64, scratch_operands = 4 : i64, tpu.core_type = #tpu.core_type<sc_vector_subcore>, window_params = [{transform_indices = #map}, {transform_indices = #map}, {transform_indices = #map1}]} {
    %mul3A = arith.constant 256 : i32
    %mul3A_0 = arith.muli %arg1, %mul3A : i32
    %jit3A = arith.constant 2 : i32
    %div3A = arith.divsi %arg1, %jit3A : i32
    %sign3A = arith.constant 0 : i32
    %sign3A_1 = arith.cmpi sgt, %arg1, %sign3A : i32
    %sign3A_2 = arith.extui %sign3A_1 : i1 to i32
    %sign3A_3 = arith.constant 0 : i32
    %sign3A_4 = arith.cmpi slt, %arg1, %sign3A_3 : i32
    %sign3A_5 = arith.extui %sign3A_4 : i1 to i32
    %sign3A_6 = arith.subi %sign3A_2, %sign3A_5 : i32
    %sign3A_7 = arith.constant 0 : i32
    %sign3A_8 = arith.cmpi sgt, %jit3A, %sign3A_7 : i32
    %sign3A_9 = arith.extui %sign3A_8 : i1 to i32
    %sign3A_10 = arith.constant 0 : i32
    %sign3A_11 = arith.cmpi slt, %jit3A, %sign3A_10 : i32
    %sign3A_12 = arith.extui %sign3A_11 : i1 to i32
    %sign3A_13 = arith.subi %sign3A_9, %sign3A_12 : i32
    %ne3A = arith.cmpi ne, %sign3A_6, %sign3A_13 : i32
    %rem3A = arith.remsi %arg1, %jit3A : i32
    %ne3A_14 = arith.constant 0 : i32
    %ne3A_15 = arith.cmpi ne, %rem3A, %ne3A_14 : i32
    %and3A = arith.andi %ne3A, %ne3A_15 : i1
    %sub3A = arith.constant 1 : i32
    %sub3A_16 = arith.subi %div3A, %sub3A : i32
    %select_n3A = arith.select %and3A, %sub3A_16, %div3A : i32
    %jit3A_17 = arith.constant 2 : i32
    %eq3A = arith.constant 0 : i32
    %eq3A_18 = arith.cmpi eq, %jit3A_17, %eq3A : i32
    %jit3A_19 = arith.constant 1 : i32
    %select_n3A_20 = arith.select %eq3A_18, %jit3A_19, %jit3A_17 : i32
    %rem3A_21 = arith.remsi %arg1, %select_n3A_20 : i32
    %ne3A_22 = arith.constant 0 : i32
    %ne3A_23 = arith.cmpi ne, %rem3A_21, %ne3A_22 : i32
    %lt3A = arith.constant 0 : i32
    %lt3A_24 = arith.cmpi slt, %rem3A_21, %lt3A : i32
    %lt3A_25 = arith.constant 0 : i32
    %lt3A_26 = arith.cmpi slt, %select_n3A_20, %lt3A_25 : i32
    %ne3A_27 = arith.xori %lt3A_24, %lt3A_26 : i1
    %and3A_28 = arith.andi %ne3A_27, %ne3A_23 : i1
    %add3A = arith.addi %rem3A_21, %select_n3A_20 : i32
    %select_n3A_29 = arith.select %and3A_28, %add3A, %rem3A_21 : i32
    %mul3A_30 = arith.constant 256 : i32
    %mul3A_31 = arith.muli %select_n3A_29, %mul3A_30 : i32
    %mul3A_32 = arith.constant 512 : i32
    %mul3A_33 = arith.muli %select_n3A, %mul3A_32 : i32
    %mul3A_34 = arith.constant 30 : i32
    %mul3A_35 = arith.muli %mul3A_0, %mul3A_34 : i32
    "tpu.region"() ({
      %run_scoped3A = tpu.sem_alloc : memref<!tpu.dma_semaphore, #tpu.memory_space<semaphore_mem>>
      %dma_start3A = tpu.memref_slice %arg2[%mul3A_35] : memref<122880xi32, #tpu.memory_space<hbm>> -> memref<7680xi32, #tpu.memory_space<hbm>>
      %dma_start3A_42 = tpu.memref_slice %arg2[%mul3A_35] : memref<122880xi32, #tpu.memory_space<hbm>> -> memref<7680xi32, #tpu.memory_space<hbm>>
      tpu.enqueue_dma source(%dma_start3A_42 : memref<7680xi32, #tpu.memory_space<hbm>>) target(%arg5 : memref<7680xi32, #tpu.memory_space<vmem>>) target_semaphore(%run_scoped3A : memref<!tpu.dma_semaphore, #tpu.memory_space<semaphore_mem>>)
      %dma_wait3A = tpu.memref_slice %arg2[%mul3A_35] : memref<122880xi32, #tpu.memory_space<hbm>> -> memref<7680xi32, #tpu.memory_space<hbm>>
      %dma_wait3A_43 = tpu.memref_slice %arg2[%mul3A_35] : memref<122880xi32, #tpu.memory_space<hbm>> -> memref<7680xi32, #tpu.memory_space<hbm>>
      tpu.wait_dma2 semaphore(%run_scoped3A : memref<!tpu.dma_semaphore, #tpu.memory_space<semaphore_mem>>) src(%dma_wait3A_43 : memref<7680xi32, #tpu.memory_space<hbm>>) dst(%arg5 : memref<7680xi32, #tpu.memory_space<vmem>>)
      tpu.yield
    }) : () -> ()
    "tpu.region"() ({
      %run_scoped3A = tpu.sem_alloc : memref<!tpu.dma_semaphore, #tpu.memory_space<semaphore_mem>>
      tpu.enqueue_dma source(%arg3 : memref<4096xi32, #tpu.memory_space<hbm>>) target(%arg6 : memref<4096xi32, #tpu.memory_space<vmem>>) target_semaphore(%run_scoped3A : memref<!tpu.dma_semaphore, #tpu.memory_space<semaphore_mem>>)
      tpu.wait_dma2 semaphore(%run_scoped3A : memref<!tpu.dma_semaphore, #tpu.memory_space<semaphore_mem>>) src(%arg3 : memref<4096xi32, #tpu.memory_space<hbm>>) dst(%arg6 : memref<4096xi32, #tpu.memory_space<vmem>>)
      tpu.yield
    }) : () -> ()
    %iota3A = tpu.iota {dimensions = array<i32: 0>} : vector<16xi32>
    %scan3A = arith.constant 0 : i32
    %scan3A_36 = arith.constant 0 : i32
    %scan3A_37 = arith.constant 30 : i32
    %scan3A_38 = arith.addi %scan3A_36, %scan3A_37 : i32
    %scan3A_39 = arith.constant 1 : i32
    %scan3A_40 = scf.for %scan3A_42 = %scan3A_36 to %scan3A_38 step %scan3A_39 iter_args(%scan3A_43 = %scan3A) -> (i32)  : i32 {
      %scan3A_44 = arith.constant 0 : i32
      %scan3A_45 = arith.constant 0 : i32
      %scan3A_46 = arith.constant 16 : i32
      %scan3A_47 = arith.addi %scan3A_45, %scan3A_46 : i32
      %scan3A_48 = arith.constant 1 : i32
      %scan3A_49 = scf.for %scan3A_52 = %scan3A_45 to %scan3A_47 step %scan3A_48 iter_args(%scan3A_53 = %scan3A_44) -> (i32)  : i32 {
        %mul3A_54 = arith.constant 16 : i32
        %mul3A_55 = arith.muli %scan3A_52, %mul3A_54 : i32
        %add3A_56 = vector.broadcast %mul3A_55 : i32 to vector<16xi32>
        %add3A_57 = arith.addi %add3A_56, %iota3A : vector<16xi32>
        %mul3A_58 = arith.constant 30 : i32
        %mul3A_59 = vector.broadcast %mul3A_58 : i32 to vector<16xi32>
        %mul3A_60 = arith.muli %add3A_57, %mul3A_59 : vector<16xi32>
        %add3A_61 = vector.broadcast %scan3A_42 : i32 to vector<16xi32>
        %add3A_62 = arith.addi %mul3A_60, %add3A_61 : vector<16xi32>
        %gather3A = tpu.vector_load_idx %arg5[%add3A_62] : memref<7680xi32, #tpu.memory_space<vmem>>[vector<16xi32>], vector<16xi32>,
        %add3A_63 = vector.broadcast %mul3A_33 : i32 to vector<16xi32>
        %add3A_64 = arith.addi %gather3A, %add3A_63 : vector<16xi32>
        %gather3A_65 = tpu.vector_load_idx %arg6[%add3A_64] : memref<4096xi32, #tpu.memory_space<vmem>>[vector<16xi32>], vector<16xi32>,
        %mul3A_66 = arith.constant 16 : i32
        %mul3A_67 = arith.muli %scan3A_52, %mul3A_66 : i32
        %swap3A = arith.index_cast %scan3A_42 : i32 to index
        %swap3A_68 = arith.index_cast %mul3A_67 : i32 to index
        %swap3A_69 = tpu.vector_load %arg7[%swap3A, %swap3A_68] {strides = array<i32>} : memref<30x256xi32, #tpu.memory_space<vmem>>, vector<16xi32>,
        tpu.vector_store %arg7[%swap3A, %swap3A_68], %gather3A_65 {strides = array<i32>} : memref<30x256xi32, #tpu.memory_space<vmem>>, vector<16xi32>,
        %scan3A_70 = arith.constant 0 : i32
        scf.yield %scan3A_70 : i32
      }
      %scan3A_50 = arith.constant 16 : i32
      %scan3A_51 = arith.constant 0 : i32
      scf.yield %scan3A_51 : i32
    }
    %scan3A_41 = arith.constant 30 : i32
    "tpu.region"() ({
      %run_scoped3A = tpu.sem_alloc : memref<!tpu.dma_semaphore, #tpu.memory_space<semaphore_mem>>
      %dma_start3A = arith.constant 0 : i32
      %dma_start3A_42 = tpu.memref_slice %arg4[%select_n3A, %dma_start3A, %mul3A_31] : memref<8x30x512xi32, #tpu.memory_space<hbm>> -> memref<1x30x256xi32, #tpu.memory_space<hbm>>
      %dma_start3A_43 = tpu.memref_squeeze %dma_start3A_42 : memref<1x30x256xi32, #tpu.memory_space<hbm>> -> memref<30x256xi32, #tpu.memory_space<hbm>>
      %dma_start3A_44 = arith.constant 0 : i32
      %dma_start3A_45 = tpu.memref_slice %arg4[%select_n3A, %dma_start3A_44, %mul3A_31] : memref<8x30x512xi32, #tpu.memory_space<hbm>> -> memref<1x30x256xi32, #tpu.memory_space<hbm>>
      %dma_start3A_46 = tpu.memref_squeeze %dma_start3A_45 : memref<1x30x256xi32, #tpu.memory_space<hbm>> -> memref<30x256xi32, #tpu.memory_space<hbm>>
      tpu.enqueue_dma source(%arg7 : memref<30x256xi32, #tpu.memory_space<vmem>>) target(%dma_start3A_46 : memref<30x256xi32, #tpu.memory_space<hbm>>) target_semaphore(%run_scoped3A : memref<!tpu.dma_semaphore, #tpu.memory_space<semaphore_mem>>)
      %dma_wait3A = arith.constant 0 : i32
      %dma_wait3A_47 = tpu.memref_slice %arg4[%select_n3A, %dma_wait3A, %mul3A_31] : memref<8x30x512xi32, #tpu.memory_space<hbm>> -> memref<1x30x256xi32, #tpu.memory_space<hbm>>
      %dma_wait3A_48 = tpu.memref_squeeze %dma_wait3A_47 : memref<1x30x256xi32, #tpu.memory_space<hbm>> -> memref<30x256xi32, #tpu.memory_space<hbm>>
      %dma_wait3A_49 = arith.constant 0 : i32
      %dma_wait3A_50 = tpu.memref_slice %arg4[%select_n3A, %dma_wait3A_49, %mul3A_31] : memref<8x30x512xi32, #tpu.memory_space<hbm>> -> memref<1x30x256xi32, #tpu.memory_space<hbm>>
      %dma_wait3A_51 = tpu.memref_squeeze %dma_wait3A_50 : memref<1x30x256xi32, #tpu.memory_space<hbm>> -> memref<30x256xi32, #tpu.memory_space<hbm>>
      tpu.wait_dma2 semaphore(%run_scoped3A : memref<!tpu.dma_semaphore, #tpu.memory_space<semaphore_mem>>) src(%arg7 : memref<30x256xi32, #tpu.memory_space<vmem>>) dst(%dma_wait3A_51 : memref<30x256xi32, #tpu.memory_space<hbm>>)
      tpu.yield
    }) : () -> ()
    return
  }
}

module attributes {stable_mosaic.version = 14 : i64} {
  func.func @_tc_body(%arg0: i32, %arg1: i32, %arg2: memref<1x1x15x512xi32, #tpu.memory_space<vmem>>, %arg3: memref<1x15x400x512xf32, #tpu.memory_space<vmem>>, %arg4: memref<1x20x512xf32, #tpu.memory_space<vmem>>) attributes {dimension_semantics = [#tpu.dimension_semantics<arbitrary>, #tpu.dimension_semantics<arbitrary>], iteration_bounds = array<i64: 8, 2>, scalar_prefetch = 0 : i64, scratch_operands = 0 : i64, tpu.core_type = #tpu.core_type<tc>, window_params = [{transform_indices = @transform_0, window_bounds = array<i64: 1, 1, 15, 512>}, {transform_indices = @transform_1, window_bounds = array<i64: 1, 15, 400, 512>}, {transform_indices = @transform_2, window_bounds = array<i64: 1, 20, 512>}]} {
    %iota3A = tpu.iota {dimensions = array<i32: 0>} : vector<400x512xi32>
    %jit3A = arith.constant 20 : i32
    %eq3A = arith.constant 0 : i32
    %eq3A_0 = arith.cmpi eq, %jit3A, %eq3A : i32
    %jit3A_1 = arith.constant 1 : i32
    %select_n3A = arith.select %eq3A_0, %jit3A_1, %jit3A : i32
    %rem3A = vector.broadcast %select_n3A : i32 to vector<400x512xi32>
    %rem3A_2 = arith.remsi %iota3A, %rem3A : vector<400x512xi32>
    %ne3A = arith.constant 0 : i32
    %ne3A_3 = vector.broadcast %ne3A : i32 to vector<400x512xi32>
    %ne3A_4 = arith.cmpi ne, %rem3A_2, %ne3A_3 : vector<400x512xi32>
    %lt3A = arith.constant 0 : i32
    %lt3A_5 = vector.broadcast %lt3A : i32 to vector<400x512xi32>
    %lt3A_6 = arith.cmpi slt, %rem3A_2, %lt3A_5 : vector<400x512xi32>
    %lt3A_7 = arith.constant 0 : i32
    %lt3A_8 = arith.cmpi slt, %select_n3A, %lt3A_7 : i32
    %ne3A_9 = vector.broadcast %lt3A_8 : i1 to vector<400x512xi1>
    %ne3A_10 = vector.broadcast %ne3A_9 : vector<400x512xi1> to vector<400x512xi1>
    %ne3A_11 = arith.xori %lt3A_6, %ne3A_10 : vector<400x512xi1>
    %and3A = arith.andi %ne3A_11, %ne3A_4 : vector<400x512xi1>
    %add3A = vector.broadcast %select_n3A : i32 to vector<400x512xi32>
    %add3A_12 = arith.addi %rem3A_2, %add3A : vector<400x512xi32>
    %select_n3A_13 = arith.select %and3A, %add3A_12, %rem3A_2 : vector<400x512xi1>, vector<400x512xi32>
    %jit3A_14 = arith.constant 20 : i32
    %div3A = vector.broadcast %jit3A_14 : i32 to vector<400x512xi32>
    %div3A_15 = arith.divsi %iota3A, %div3A : vector<400x512xi32>
    %sign3A = arith.constant 0 : i32
    %sign3A_16 = vector.broadcast %sign3A : i32 to vector<400x512xi32>
    %sign3A_17 = arith.cmpi sgt, %iota3A, %sign3A_16 : vector<400x512xi32>
    %sign3A_18 = arith.extui %sign3A_17 : vector<400x512xi1> to vector<400x512xi32>
    %sign3A_19 = arith.constant 0 : i32
    %sign3A_20 = vector.broadcast %sign3A_19 : i32 to vector<400x512xi32>
    %sign3A_21 = arith.cmpi slt, %iota3A, %sign3A_20 : vector<400x512xi32>
    %sign3A_22 = arith.extui %sign3A_21 : vector<400x512xi1> to vector<400x512xi32>
    %sign3A_23 = arith.subi %sign3A_18, %sign3A_22 : vector<400x512xi32>
    %sign3A_24 = arith.constant 0 : i32
    %sign3A_25 = arith.cmpi sgt, %jit3A_14, %sign3A_24 : i32
    %sign3A_26 = arith.extui %sign3A_25 : i1 to i32
    %sign3A_27 = arith.constant 0 : i32
    %sign3A_28 = arith.cmpi slt, %jit3A_14, %sign3A_27 : i32
    %sign3A_29 = arith.extui %sign3A_28 : i1 to i32
    %sign3A_30 = arith.subi %sign3A_26, %sign3A_29 : i32
    %ne3A_31 = vector.broadcast %sign3A_30 : i32 to vector<400x512xi32>
    %ne3A_32 = arith.cmpi ne, %sign3A_23, %ne3A_31 : vector<400x512xi32>
    %rem3A_33 = vector.broadcast %jit3A_14 : i32 to vector<400x512xi32>
    %rem3A_34 = arith.remsi %iota3A, %rem3A_33 : vector<400x512xi32>
    %ne3A_35 = arith.constant 0 : i32
    %ne3A_36 = vector.broadcast %ne3A_35 : i32 to vector<400x512xi32>
    %ne3A_37 = arith.cmpi ne, %rem3A_34, %ne3A_36 : vector<400x512xi32>
    %and3A_38 = arith.andi %ne3A_32, %ne3A_37 : vector<400x512xi1>
    %sub3A = arith.constant 1 : i32
    %sub3A_39 = vector.broadcast %sub3A : i32 to vector<400x512xi32>
    %sub3A_40 = arith.subi %div3A_15, %sub3A_39 : vector<400x512xi32>
    %select_n3A_41 = arith.select %and3A_38, %sub3A_40, %div3A_15 : vector<400x512xi1>, vector<400x512xi32>
    %eq3A_42 = arith.cmpi eq, %select_n3A_13, %select_n3A_41 : vector<400x512xi32>
    %get3A = arith.constant 0 : index
    %get3A_43 = arith.constant 0 : index
    %get3A_44 = arith.constant 0 : index
    %get3A_45 = arith.constant 0 : index
    %get3A_46 = vector.load %arg3[%get3A, %get3A_43, %get3A_44, %get3A_45] : memref<1x15x400x512xf32, #tpu.memory_space<vmem>>, vector<1x1x400x512xf32>
    %get3A_47 = vector.shape_cast %get3A_46 : vector<1x1x400x512xf32> to vector<400x512xf32>
    %get3A_48 = arith.constant 0 : index
    %get3A_49 = arith.constant 0 : index
    %get3A_50 = arith.constant 0 : index
    %get3A_51 = arith.constant 0 : index
    %get3A_52 = vector.load %arg2[%get3A_48, %get3A_49, %get3A_50, %get3A_51] : memref<1x1x15x512xi32, #tpu.memory_space<vmem>>, vector<1x1x1x512xi32>
    %get3A_53 = vector.shape_cast %get3A_52 : vector<1x1x1x512xi32> to vector<512xi32>
    %broadcast_in_dim3A = vector.shape_cast %get3A_53 : vector<512xi32> to vector<1x512xi32>
    %eq3A_54 = vector.broadcast %broadcast_in_dim3A : vector<1x512xi32> to vector<400x512xi32>
    %eq3A_55 = arith.cmpi eq, %select_n3A_13, %eq3A_54 : vector<400x512xi32>
    %jit3A_56 = arith.constant 0.000000e+00 : f32
    %broadcast_in_dim3A_57 = vector.broadcast %jit3A_56 : f32 to vector<400x512xf32>
    %select_n3A_58 = arith.select %eq3A_55, %get3A_47, %broadcast_in_dim3A_57 : vector<400x512xi1>, vector<400x512xf32>
    %eq3A_59 = arith.constant 0 : i32
    %eq3A_60 = arith.cmpi eq, %arg1, %eq3A_59 : i32
    %jit3A_61 = arith.constant 0.000000e+00 : f32
    %broadcast_in_dim3A_62 = vector.broadcast %jit3A_61 : f32 to vector<400x512xf32>
    %select_n3A_63 = arith.select %eq3A_42, %get3A_47, %broadcast_in_dim3A_62 : vector<400x512xi1>, vector<400x512xf32>
    %select_n3A_64 = arith.select %eq3A_60, %select_n3A_63, %select_n3A_58 : vector<400x512xf32>
    %get3A_65 = arith.constant 0 : index
    %get3A_66 = arith.constant 1 : index
    %get3A_67 = arith.constant 0 : index
    %get3A_68 = arith.constant 0 : index
    %get3A_69 = vector.load %arg3[%get3A_65, %get3A_66, %get3A_67, %get3A_68] : memref<1x15x400x512xf32, #tpu.memory_space<vmem>>, vector<1x1x400x512xf32>
    %get3A_70 = vector.shape_cast %get3A_69 : vector<1x1x400x512xf32> to vector<400x512xf32>
    %get3A_71 = arith.constant 0 : index
    %get3A_72 = arith.constant 0 : index
    %get3A_73 = arith.constant 1 : index
    %get3A_74 = arith.constant 0 : index
    %get3A_75 = vector.load %arg2[%get3A_71, %get3A_72, %get3A_73, %get3A_74] : memref<1x1x15x512xi32, #tpu.memory_space<vmem>>, vector<1x1x1x512xi32>
    %get3A_76 = vector.shape_cast %get3A_75 : vector<1x1x1x512xi32> to vector<512xi32>
    %broadcast_in_dim3A_77 = vector.shape_cast %get3A_76 : vector<512xi32> to vector<1x512xi32>
    %eq3A_78 = vector.broadcast %broadcast_in_dim3A_77 : vector<1x512xi32> to vector<400x512xi32>
    %eq3A_79 = arith.cmpi eq, %select_n3A_13, %eq3A_78 : vector<400x512xi32>
    %jit3A_80 = arith.constant 0.000000e+00 : f32
    %broadcast_in_dim3A_81 = vector.broadcast %jit3A_80 : f32 to vector<400x512xf32>
    %select_n3A_82 = arith.select %eq3A_79, %get3A_70, %broadcast_in_dim3A_81 : vector<400x512xi1>, vector<400x512xf32>
    %add3A_83 = arith.addf %select_n3A_64, %select_n3A_82 : vector<400x512xf32>
    %get3A_84 = arith.constant 0 : index
    %get3A_85 = arith.constant 2 : index
    %get3A_86 = arith.constant 0 : index
    %get3A_87 = arith.constant 0 : index
    %get3A_88 = vector.load %arg3[%get3A_84, %get3A_85, %get3A_86, %get3A_87] : memref<1x15x400x512xf32, #tpu.memory_space<vmem>>, vector<1x1x400x512xf32>
    %get3A_89 = vector.shape_cast %get3A_88 : vector<1x1x400x512xf32> to vector<400x512xf32>
    %get3A_90 = arith.constant 0 : index
    %get3A_91 = arith.constant 0 : index
    %get3A_92 = arith.constant 2 : index
    %get3A_93 = arith.constant 0 : index
    %get3A_94 = vector.load %arg2[%get3A_90, %get3A_91, %get3A_92, %get3A_93] : memref<1x1x15x512xi32, #tpu.memory_space<vmem>>, vector<1x1x1x512xi32>
    %get3A_95 = vector.shape_cast %get3A_94 : vector<1x1x1x512xi32> to vector<512xi32>
    %broadcast_in_dim3A_96 = vector.shape_cast %get3A_95 : vector<512xi32> to vector<1x512xi32>
    %eq3A_97 = vector.broadcast %broadcast_in_dim3A_96 : vector<1x512xi32> to vector<400x512xi32>
    %eq3A_98 = arith.cmpi eq, %select_n3A_13, %eq3A_97 : vector<400x512xi32>
    %jit3A_99 = arith.constant 0.000000e+00 : f32
    %broadcast_in_dim3A_100 = vector.broadcast %jit3A_99 : f32 to vector<400x512xf32>
    %select_n3A_101 = arith.select %eq3A_98, %get3A_89, %broadcast_in_dim3A_100 : vector<400x512xi1>, vector<400x512xf32>
    %add3A_102 = arith.addf %add3A_83, %select_n3A_101 : vector<400x512xf32>
    %get3A_103 = arith.constant 0 : index
    %get3A_104 = arith.constant 3 : index
    %get3A_105 = arith.constant 0 : index
    %get3A_106 = arith.constant 0 : index
    %get3A_107 = vector.load %arg3[%get3A_103, %get3A_104, %get3A_105, %get3A_106] : memref<1x15x400x512xf32, #tpu.memory_space<vmem>>, vector<1x1x400x512xf32>
    %get3A_108 = vector.shape_cast %get3A_107 : vector<1x1x400x512xf32> to vector<400x512xf32>
    %get3A_109 = arith.constant 0 : index
    %get3A_110 = arith.constant 0 : index
    %get3A_111 = arith.constant 3 : index
    %get3A_112 = arith.constant 0 : index
    %get3A_113 = vector.load %arg2[%get3A_109, %get3A_110, %get3A_111, %get3A_112] : memref<1x1x15x512xi32, #tpu.memory_space<vmem>>, vector<1x1x1x512xi32>
    %get3A_114 = vector.shape_cast %get3A_113 : vector<1x1x1x512xi32> to vector<512xi32>
    %broadcast_in_dim3A_115 = vector.shape_cast %get3A_114 : vector<512xi32> to vector<1x512xi32>
    %eq3A_116 = vector.broadcast %broadcast_in_dim3A_115 : vector<1x512xi32> to vector<400x512xi32>
    %eq3A_117 = arith.cmpi eq, %select_n3A_13, %eq3A_116 : vector<400x512xi32>
    %jit3A_118 = arith.constant 0.000000e+00 : f32
    %broadcast_in_dim3A_119 = vector.broadcast %jit3A_118 : f32 to vector<400x512xf32>
    %select_n3A_120 = arith.select %eq3A_117, %get3A_108, %broadcast_in_dim3A_119 : vector<400x512xi1>, vector<400x512xf32>
    %add3A_121 = arith.addf %add3A_102, %select_n3A_120 : vector<400x512xf32>
    %get3A_122 = arith.constant 0 : index
    %get3A_123 = arith.constant 4 : index
    %get3A_124 = arith.constant 0 : index
    %get3A_125 = arith.constant 0 : index
    %get3A_126 = vector.load %arg3[%get3A_122, %get3A_123, %get3A_124, %get3A_125] : memref<1x15x400x512xf32, #tpu.memory_space<vmem>>, vector<1x1x400x512xf32>
    %get3A_127 = vector.shape_cast %get3A_126 : vector<1x1x400x512xf32> to vector<400x512xf32>
    %get3A_128 = arith.constant 0 : index
    %get3A_129 = arith.constant 0 : index
    %get3A_130 = arith.constant 4 : index
    %get3A_131 = arith.constant 0 : index
    %get3A_132 = vector.load %arg2[%get3A_128, %get3A_129, %get3A_130, %get3A_131] : memref<1x1x15x512xi32, #tpu.memory_space<vmem>>, vector<1x1x1x512xi32>
    %get3A_133 = vector.shape_cast %get3A_132 : vector<1x1x1x512xi32> to vector<512xi32>
    %broadcast_in_dim3A_134 = vector.shape_cast %get3A_133 : vector<512xi32> to vector<1x512xi32>
    %eq3A_135 = vector.broadcast %broadcast_in_dim3A_134 : vector<1x512xi32> to vector<400x512xi32>
    %eq3A_136 = arith.cmpi eq, %select_n3A_13, %eq3A_135 : vector<400x512xi32>
    %jit3A_137 = arith.constant 0.000000e+00 : f32
    %broadcast_in_dim3A_138 = vector.broadcast %jit3A_137 : f32 to vector<400x512xf32>
    %select_n3A_139 = arith.select %eq3A_136, %get3A_127, %broadcast_in_dim3A_138 : vector<400x512xi1>, vector<400x512xf32>
    %add3A_140 = arith.addf %add3A_121, %select_n3A_139 : vector<400x512xf32>
    %get3A_141 = arith.constant 0 : index
    %get3A_142 = arith.constant 5 : index
    %get3A_143 = arith.constant 0 : index
    %get3A_144 = arith.constant 0 : index
    %get3A_145 = vector.load %arg3[%get3A_141, %get3A_142, %get3A_143, %get3A_144] : memref<1x15x400x512xf32, #tpu.memory_space<vmem>>, vector<1x1x400x512xf32>
    %get3A_146 = vector.shape_cast %get3A_145 : vector<1x1x400x512xf32> to vector<400x512xf32>
    %get3A_147 = arith.constant 0 : index
    %get3A_148 = arith.constant 0 : index
    %get3A_149 = arith.constant 5 : index
    %get3A_150 = arith.constant 0 : index
    %get3A_151 = vector.load %arg2[%get3A_147, %get3A_148, %get3A_149, %get3A_150] : memref<1x1x15x512xi32, #tpu.memory_space<vmem>>, vector<1x1x1x512xi32>
    %get3A_152 = vector.shape_cast %get3A_151 : vector<1x1x1x512xi32> to vector<512xi32>
    %broadcast_in_dim3A_153 = vector.shape_cast %get3A_152 : vector<512xi32> to vector<1x512xi32>
    %eq3A_154 = vector.broadcast %broadcast_in_dim3A_153 : vector<1x512xi32> to vector<400x512xi32>
    %eq3A_155 = arith.cmpi eq, %select_n3A_13, %eq3A_154 : vector<400x512xi32>
    %jit3A_156 = arith.constant 0.000000e+00 : f32
    %broadcast_in_dim3A_157 = vector.broadcast %jit3A_156 : f32 to vector<400x512xf32>
    %select_n3A_158 = arith.select %eq3A_155, %get3A_146, %broadcast_in_dim3A_157 : vector<400x512xi1>, vector<400x512xf32>
    %add3A_159 = arith.addf %add3A_140, %select_n3A_158 : vector<400x512xf32>
    %get3A_160 = arith.constant 0 : index
    %get3A_161 = arith.constant 6 : index
    %get3A_162 = arith.constant 0 : index
    %get3A_163 = arith.constant 0 : index
    %get3A_164 = vector.load %arg3[%get3A_160, %get3A_161, %get3A_162, %get3A_163] : memref<1x15x400x512xf32, #tpu.memory_space<vmem>>, vector<1x1x400x512xf32>
    %get3A_165 = vector.shape_cast %get3A_164 : vector<1x1x400x512xf32> to vector<400x512xf32>
    %get3A_166 = arith.constant 0 : index
    %get3A_167 = arith.constant 0 : index
    %get3A_168 = arith.constant 6 : index
    %get3A_169 = arith.constant 0 : index
    %get3A_170 = vector.load %arg2[%get3A_166, %get3A_167, %get3A_168, %get3A_169] : memref<1x1x15x512xi32, #tpu.memory_space<vmem>>, vector<1x1x1x512xi32>
    %get3A_171 = vector.shape_cast %get3A_170 : vector<1x1x1x512xi32> to vector<512xi32>
    %broadcast_in_dim3A_172 = vector.shape_cast %get3A_171 : vector<512xi32> to vector<1x512xi32>
    %eq3A_173 = vector.broadcast %broadcast_in_dim3A_172 : vector<1x512xi32> to vector<400x512xi32>
    %eq3A_174 = arith.cmpi eq, %select_n3A_13, %eq3A_173 : vector<400x512xi32>
    %jit3A_175 = arith.constant 0.000000e+00 : f32
    %broadcast_in_dim3A_176 = vector.broadcast %jit3A_175 : f32 to vector<400x512xf32>
    %select_n3A_177 = arith.select %eq3A_174, %get3A_165, %broadcast_in_dim3A_176 : vector<400x512xi1>, vector<400x512xf32>
    %add3A_178 = arith.addf %add3A_159, %select_n3A_177 : vector<400x512xf32>
    %get3A_179 = arith.constant 0 : index
    %get3A_180 = arith.constant 7 : index
    %get3A_181 = arith.constant 0 : index
    %get3A_182 = arith.constant 0 : index
    %get3A_183 = vector.load %arg3[%get3A_179, %get3A_180, %get3A_181, %get3A_182] : memref<1x15x400x512xf32, #tpu.memory_space<vmem>>, vector<1x1x400x512xf32>
    %get3A_184 = vector.shape_cast %get3A_183 : vector<1x1x400x512xf32> to vector<400x512xf32>
    %get3A_185 = arith.constant 0 : index
    %get3A_186 = arith.constant 0 : index
    %get3A_187 = arith.constant 7 : index
    %get3A_188 = arith.constant 0 : index
    %get3A_189 = vector.load %arg2[%get3A_185, %get3A_186, %get3A_187, %get3A_188] : memref<1x1x15x512xi32, #tpu.memory_space<vmem>>, vector<1x1x1x512xi32>
    %get3A_190 = vector.shape_cast %get3A_189 : vector<1x1x1x512xi32> to vector<512xi32>
    %broadcast_in_dim3A_191 = vector.shape_cast %get3A_190 : vector<512xi32> to vector<1x512xi32>
    %eq3A_192 = vector.broadcast %broadcast_in_dim3A_191 : vector<1x512xi32> to vector<400x512xi32>
    %eq3A_193 = arith.cmpi eq, %select_n3A_13, %eq3A_192 : vector<400x512xi32>
    %jit3A_194 = arith.constant 0.000000e+00 : f32
    %broadcast_in_dim3A_195 = vector.broadcast %jit3A_194 : f32 to vector<400x512xf32>
    %select_n3A_196 = arith.select %eq3A_193, %get3A_184, %broadcast_in_dim3A_195 : vector<400x512xi1>, vector<400x512xf32>
    %add3A_197 = arith.addf %add3A_178, %select_n3A_196 : vector<400x512xf32>
    %get3A_198 = arith.constant 0 : index
    %get3A_199 = arith.constant 8 : index
    %get3A_200 = arith.constant 0 : index
    %get3A_201 = arith.constant 0 : index
    %get3A_202 = vector.load %arg3[%get3A_198, %get3A_199, %get3A_200, %get3A_201] : memref<1x15x400x512xf32, #tpu.memory_space<vmem>>, vector<1x1x400x512xf32>
    %get3A_203 = vector.shape_cast %get3A_202 : vector<1x1x400x512xf32> to vector<400x512xf32>
    %get3A_204 = arith.constant 0 : index
    %get3A_205 = arith.constant 0 : index
    %get3A_206 = arith.constant 8 : index
    %get3A_207 = arith.constant 0 : index
    %get3A_208 = vector.load %arg2[%get3A_204, %get3A_205, %get3A_206, %get3A_207] : memref<1x1x15x512xi32, #tpu.memory_space<vmem>>, vector<1x1x1x512xi32>
    %get3A_209 = vector.shape_cast %get3A_208 : vector<1x1x1x512xi32> to vector<512xi32>
    %broadcast_in_dim3A_210 = vector.shape_cast %get3A_209 : vector<512xi32> to vector<1x512xi32>
    %eq3A_211 = vector.broadcast %broadcast_in_dim3A_210 : vector<1x512xi32> to vector<400x512xi32>
    %eq3A_212 = arith.cmpi eq, %select_n3A_13, %eq3A_211 : vector<400x512xi32>
    %jit3A_213 = arith.constant 0.000000e+00 : f32
    %broadcast_in_dim3A_214 = vector.broadcast %jit3A_213 : f32 to vector<400x512xf32>
    %select_n3A_215 = arith.select %eq3A_212, %get3A_203, %broadcast_in_dim3A_214 : vector<400x512xi1>, vector<400x512xf32>
    %add3A_216 = arith.addf %add3A_197, %select_n3A_215 : vector<400x512xf32>
    %get3A_217 = arith.constant 0 : index
    %get3A_218 = arith.constant 9 : index
    %get3A_219 = arith.constant 0 : index
    %get3A_220 = arith.constant 0 : index
    %get3A_221 = vector.load %arg3[%get3A_217, %get3A_218, %get3A_219, %get3A_220] : memref<1x15x400x512xf32, #tpu.memory_space<vmem>>, vector<1x1x400x512xf32>
    %get3A_222 = vector.shape_cast %get3A_221 : vector<1x1x400x512xf32> to vector<400x512xf32>
    %get3A_223 = arith.constant 0 : index
    %get3A_224 = arith.constant 0 : index
    %get3A_225 = arith.constant 9 : index
    %get3A_226 = arith.constant 0 : index
    %get3A_227 = vector.load %arg2[%get3A_223, %get3A_224, %get3A_225, %get3A_226] : memref<1x1x15x512xi32, #tpu.memory_space<vmem>>, vector<1x1x1x512xi32>
    %get3A_228 = vector.shape_cast %get3A_227 : vector<1x1x1x512xi32> to vector<512xi32>
    %broadcast_in_dim3A_229 = vector.shape_cast %get3A_228 : vector<512xi32> to vector<1x512xi32>
    %eq3A_230 = vector.broadcast %broadcast_in_dim3A_229 : vector<1x512xi32> to vector<400x512xi32>
    %eq3A_231 = arith.cmpi eq, %select_n3A_13, %eq3A_230 : vector<400x512xi32>
    %jit3A_232 = arith.constant 0.000000e+00 : f32
    %broadcast_in_dim3A_233 = vector.broadcast %jit3A_232 : f32 to vector<400x512xf32>
    %select_n3A_234 = arith.select %eq3A_231, %get3A_222, %broadcast_in_dim3A_233 : vector<400x512xi1>, vector<400x512xf32>
    %add3A_235 = arith.addf %add3A_216, %select_n3A_234 : vector<400x512xf32>
    %get3A_236 = arith.constant 0 : index
    %get3A_237 = arith.constant 10 : index
    %get3A_238 = arith.constant 0 : index
    %get3A_239 = arith.constant 0 : index
    %get3A_240 = vector.load %arg3[%get3A_236, %get3A_237, %get3A_238, %get3A_239] : memref<1x15x400x512xf32, #tpu.memory_space<vmem>>, vector<1x1x400x512xf32>
    %get3A_241 = vector.shape_cast %get3A_240 : vector<1x1x400x512xf32> to vector<400x512xf32>
    %get3A_242 = arith.constant 0 : index
    %get3A_243 = arith.constant 0 : index
    %get3A_244 = arith.constant 10 : index
    %get3A_245 = arith.constant 0 : index
    %get3A_246 = vector.load %arg2[%get3A_242, %get3A_243, %get3A_244, %get3A_245] : memref<1x1x15x512xi32, #tpu.memory_space<vmem>>, vector<1x1x1x512xi32>
    %get3A_247 = vector.shape_cast %get3A_246 : vector<1x1x1x512xi32> to vector<512xi32>
    %broadcast_in_dim3A_248 = vector.shape_cast %get3A_247 : vector<512xi32> to vector<1x512xi32>
    %eq3A_249 = vector.broadcast %broadcast_in_dim3A_248 : vector<1x512xi32> to vector<400x512xi32>
    %eq3A_250 = arith.cmpi eq, %select_n3A_13, %eq3A_249 : vector<400x512xi32>
    %jit3A_251 = arith.constant 0.000000e+00 : f32
    %broadcast_in_dim3A_252 = vector.broadcast %jit3A_251 : f32 to vector<400x512xf32>
    %select_n3A_253 = arith.select %eq3A_250, %get3A_241, %broadcast_in_dim3A_252 : vector<400x512xi1>, vector<400x512xf32>
    %add3A_254 = arith.addf %add3A_235, %select_n3A_253 : vector<400x512xf32>
    %get3A_255 = arith.constant 0 : index
    %get3A_256 = arith.constant 11 : index
    %get3A_257 = arith.constant 0 : index
    %get3A_258 = arith.constant 0 : index
    %get3A_259 = vector.load %arg3[%get3A_255, %get3A_256, %get3A_257, %get3A_258] : memref<1x15x400x512xf32, #tpu.memory_space<vmem>>, vector<1x1x400x512xf32>
    %get3A_260 = vector.shape_cast %get3A_259 : vector<1x1x400x512xf32> to vector<400x512xf32>
    %get3A_261 = arith.constant 0 : index
    %get3A_262 = arith.constant 0 : index
    %get3A_263 = arith.constant 11 : index
    %get3A_264 = arith.constant 0 : index
    %get3A_265 = vector.load %arg2[%get3A_261, %get3A_262, %get3A_263, %get3A_264] : memref<1x1x15x512xi32, #tpu.memory_space<vmem>>, vector<1x1x1x512xi32>
    %get3A_266 = vector.shape_cast %get3A_265 : vector<1x1x1x512xi32> to vector<512xi32>
    %broadcast_in_dim3A_267 = vector.shape_cast %get3A_266 : vector<512xi32> to vector<1x512xi32>
    %eq3A_268 = vector.broadcast %broadcast_in_dim3A_267 : vector<1x512xi32> to vector<400x512xi32>
    %eq3A_269 = arith.cmpi eq, %select_n3A_13, %eq3A_268 : vector<400x512xi32>
    %jit3A_270 = arith.constant 0.000000e+00 : f32
    %broadcast_in_dim3A_271 = vector.broadcast %jit3A_270 : f32 to vector<400x512xf32>
    %select_n3A_272 = arith.select %eq3A_269, %get3A_260, %broadcast_in_dim3A_271 : vector<400x512xi1>, vector<400x512xf32>
    %add3A_273 = arith.addf %add3A_254, %select_n3A_272 : vector<400x512xf32>
    %get3A_274 = arith.constant 0 : index
    %get3A_275 = arith.constant 12 : index
    %get3A_276 = arith.constant 0 : index
    %get3A_277 = arith.constant 0 : index
    %get3A_278 = vector.load %arg3[%get3A_274, %get3A_275, %get3A_276, %get3A_277] : memref<1x15x400x512xf32, #tpu.memory_space<vmem>>, vector<1x1x400x512xf32>
    %get3A_279 = vector.shape_cast %get3A_278 : vector<1x1x400x512xf32> to vector<400x512xf32>
    %get3A_280 = arith.constant 0 : index
    %get3A_281 = arith.constant 0 : index
    %get3A_282 = arith.constant 12 : index
    %get3A_283 = arith.constant 0 : index
    %get3A_284 = vector.load %arg2[%get3A_280, %get3A_281, %get3A_282, %get3A_283] : memref<1x1x15x512xi32, #tpu.memory_space<vmem>>, vector<1x1x1x512xi32>
    %get3A_285 = vector.shape_cast %get3A_284 : vector<1x1x1x512xi32> to vector<512xi32>
    %broadcast_in_dim3A_286 = vector.shape_cast %get3A_285 : vector<512xi32> to vector<1x512xi32>
    %eq3A_287 = vector.broadcast %broadcast_in_dim3A_286 : vector<1x512xi32> to vector<400x512xi32>
    %eq3A_288 = arith.cmpi eq, %select_n3A_13, %eq3A_287 : vector<400x512xi32>
    %jit3A_289 = arith.constant 0.000000e+00 : f32
    %broadcast_in_dim3A_290 = vector.broadcast %jit3A_289 : f32 to vector<400x512xf32>
    %select_n3A_291 = arith.select %eq3A_288, %get3A_279, %broadcast_in_dim3A_290 : vector<400x512xi1>, vector<400x512xf32>
    %add3A_292 = arith.addf %add3A_273, %select_n3A_291 : vector<400x512xf32>
    %get3A_293 = arith.constant 0 : index
    %get3A_294 = arith.constant 13 : index
    %get3A_295 = arith.constant 0 : index
    %get3A_296 = arith.constant 0 : index
    %get3A_297 = vector.load %arg3[%get3A_293, %get3A_294, %get3A_295, %get3A_296] : memref<1x15x400x512xf32, #tpu.memory_space<vmem>>, vector<1x1x400x512xf32>
    %get3A_298 = vector.shape_cast %get3A_297 : vector<1x1x400x512xf32> to vector<400x512xf32>
    %get3A_299 = arith.constant 0 : index
    %get3A_300 = arith.constant 0 : index
    %get3A_301 = arith.constant 13 : index
    %get3A_302 = arith.constant 0 : index
    %get3A_303 = vector.load %arg2[%get3A_299, %get3A_300, %get3A_301, %get3A_302] : memref<1x1x15x512xi32, #tpu.memory_space<vmem>>, vector<1x1x1x512xi32>
    %get3A_304 = vector.shape_cast %get3A_303 : vector<1x1x1x512xi32> to vector<512xi32>
    %broadcast_in_dim3A_305 = vector.shape_cast %get3A_304 : vector<512xi32> to vector<1x512xi32>
    %eq3A_306 = vector.broadcast %broadcast_in_dim3A_305 : vector<1x512xi32> to vector<400x512xi32>
    %eq3A_307 = arith.cmpi eq, %select_n3A_13, %eq3A_306 : vector<400x512xi32>
    %jit3A_308 = arith.constant 0.000000e+00 : f32
    %broadcast_in_dim3A_309 = vector.broadcast %jit3A_308 : f32 to vector<400x512xf32>
    %select_n3A_310 = arith.select %eq3A_307, %get3A_298, %broadcast_in_dim3A_309 : vector<400x512xi1>, vector<400x512xf32>
    %add3A_311 = arith.addf %add3A_292, %select_n3A_310 : vector<400x512xf32>
    %get3A_312 = arith.constant 0 : index
    %get3A_313 = arith.constant 14 : index
    %get3A_314 = arith.constant 0 : index
    %get3A_315 = arith.constant 0 : index
    %get3A_316 = vector.load %arg3[%get3A_312, %get3A_313, %get3A_314, %get3A_315] : memref<1x15x400x512xf32, #tpu.memory_space<vmem>>, vector<1x1x400x512xf32>
    %get3A_317 = vector.shape_cast %get3A_316 : vector<1x1x400x512xf32> to vector<400x512xf32>
    %get3A_318 = arith.constant 0 : index
    %get3A_319 = arith.constant 0 : index
    %get3A_320 = arith.constant 14 : index
    %get3A_321 = arith.constant 0 : index
    %get3A_322 = vector.load %arg2[%get3A_318, %get3A_319, %get3A_320, %get3A_321] : memref<1x1x15x512xi32, #tpu.memory_space<vmem>>, vector<1x1x1x512xi32>
    %get3A_323 = vector.shape_cast %get3A_322 : vector<1x1x1x512xi32> to vector<512xi32>
    %broadcast_in_dim3A_324 = vector.shape_cast %get3A_323 : vector<512xi32> to vector<1x512xi32>
    %eq3A_325 = vector.broadcast %broadcast_in_dim3A_324 : vector<1x512xi32> to vector<400x512xi32>
    %eq3A_326 = arith.cmpi eq, %select_n3A_13, %eq3A_325 : vector<400x512xi32>
    %jit3A_327 = arith.constant 0.000000e+00 : f32
    %broadcast_in_dim3A_328 = vector.broadcast %jit3A_327 : f32 to vector<400x512xf32>
    %select_n3A_329 = arith.select %eq3A_326, %get3A_317, %broadcast_in_dim3A_328 : vector<400x512xi1>, vector<400x512xf32>
    %add3A_330 = arith.addf %add3A_311, %select_n3A_329 : vector<400x512xf32>
    %iota3A_331 = tpu.iota {dimensions = array<i32: 1>} : vector<20x400xi32>
    %jit3A_332 = arith.constant 20 : i32
    %div3A_333 = vector.broadcast %jit3A_332 : i32 to vector<20x400xi32>
    %div3A_334 = arith.divsi %iota3A_331, %div3A_333 : vector<20x400xi32>
    %sign3A_335 = arith.constant 0 : i32
    %sign3A_336 = vector.broadcast %sign3A_335 : i32 to vector<20x400xi32>
    %sign3A_337 = arith.cmpi sgt, %iota3A_331, %sign3A_336 : vector<20x400xi32>
    %sign3A_338 = arith.extui %sign3A_337 : vector<20x400xi1> to vector<20x400xi32>
    %sign3A_339 = arith.constant 0 : i32
    %sign3A_340 = vector.broadcast %sign3A_339 : i32 to vector<20x400xi32>
    %sign3A_341 = arith.cmpi slt, %iota3A_331, %sign3A_340 : vector<20x400xi32>
    %sign3A_342 = arith.extui %sign3A_341 : vector<20x400xi1> to vector<20x400xi32>
    %sign3A_343 = arith.subi %sign3A_338, %sign3A_342 : vector<20x400xi32>
    %sign3A_344 = arith.constant 0 : i32
    %sign3A_345 = arith.cmpi sgt, %jit3A_332, %sign3A_344 : i32
    %sign3A_346 = arith.extui %sign3A_345 : i1 to i32
    %sign3A_347 = arith.constant 0 : i32
    %sign3A_348 = arith.cmpi slt, %jit3A_332, %sign3A_347 : i32
    %sign3A_349 = arith.extui %sign3A_348 : i1 to i32
    %sign3A_350 = arith.subi %sign3A_346, %sign3A_349 : i32
    %ne3A_351 = vector.broadcast %sign3A_350 : i32 to vector<20x400xi32>
    %ne3A_352 = arith.cmpi ne, %sign3A_343, %ne3A_351 : vector<20x400xi32>
    %rem3A_353 = vector.broadcast %jit3A_332 : i32 to vector<20x400xi32>
    %rem3A_354 = arith.remsi %iota3A_331, %rem3A_353 : vector<20x400xi32>
    %ne3A_355 = arith.constant 0 : i32
    %ne3A_356 = vector.broadcast %ne3A_355 : i32 to vector<20x400xi32>
    %ne3A_357 = arith.cmpi ne, %rem3A_354, %ne3A_356 : vector<20x400xi32>
    %and3A_358 = arith.andi %ne3A_352, %ne3A_357 : vector<20x400xi1>
    %sub3A_359 = arith.constant 1 : i32
    %sub3A_360 = vector.broadcast %sub3A_359 : i32 to vector<20x400xi32>
    %sub3A_361 = arith.subi %div3A_334, %sub3A_360 : vector<20x400xi32>
    %select_n3A_362 = arith.select %and3A_358, %sub3A_361, %div3A_334 : vector<20x400xi1>, vector<20x400xi32>
    %iota3A_363 = tpu.iota {dimensions = array<i32: 0>} : vector<20x400xi32>
    %eq3A_364 = arith.cmpi eq, %select_n3A_362, %iota3A_363 : vector<20x400xi32>
    %convert_element_type3A = arith.extui %eq3A_364 : vector<20x400xi1> to vector<20x400xi32>
    %convert_element_type3A_365 = arith.sitofp %convert_element_type3A : vector<20x400xi32> to vector<20x400xf32>
    %dot_general3A = arith.constant dense<0.000000e+00> : vector<20x512xf32>
    %dot_general3A_366 = tpu.matmul %convert_element_type3A_365, %add3A_330, %dot_general3A {dimension_numbers = #tpu.dot_dimension_numbers<[1], [0], [0], [1], [0, 0, 1, 1], [], []>, transpose_lhs_hint = false} : vector<20x400xf32>, vector<400x512xf32>, vector<20x512xf32> -> vector<20x512xf32>
    %eq3A_367 = arith.constant 0 : i32
    %eq3A_368 = arith.cmpi eq, %arg1, %eq3A_367 : i32
    %convert_element_type3A_369 = arith.extui %eq3A_368 : i1 to i32
    %cond3A = arith.constant 0 : i32
    %cond3A_370 = arith.cmpi ne, %convert_element_type3A_369, %cond3A : i32
    scf.if %cond3A_370 {
      %broadcast_in_dim3A_375 = vector.shape_cast %dot_general3A_366 : vector<20x512xf32> to vector<1x20x512xf32>
      %swap3A = arith.constant 0 : index
      %swap3A_376 = arith.constant 0 : index
      %swap3A_377 = arith.constant 0 : index
      %swap3A_378 = vector.load %arg4[%swap3A, %swap3A_376, %swap3A_377] : memref<1x20x512xf32, #tpu.memory_space<vmem>>, vector<1x20x512xf32>
      tpu.vector_store %arg4[%swap3A, %swap3A_376, %swap3A_377], %broadcast_in_dim3A_375 {strides = array<i32>} : memref<1x20x512xf32, #tpu.memory_space<vmem>>, vector<1x20x512xf32>,
    } else {
    }
    %gt3A = arith.constant 0 : i32
    %gt3A_371 = arith.cmpi sgt, %arg1, %gt3A : i32
    %convert_element_type3A_372 = arith.extui %gt3A_371 : i1 to i32
    %cond3A_373 = arith.constant 0 : i32
    %cond3A_374 = arith.cmpi ne, %convert_element_type3A_372, %cond3A_373 : i32
    scf.if %cond3A_374 {
      %get3A_375 = arith.constant 0 : index
      %get3A_376 = arith.constant 0 : index
      %get3A_377 = arith.constant 0 : index
      %get3A_378 = vector.load %arg4[%get3A_375, %get3A_376, %get3A_377] : memref<1x20x512xf32, #tpu.memory_space<vmem>>, vector<1x20x512xf32>
      %broadcast_in_dim3A_379 = vector.shape_cast %dot_general3A_366 : vector<20x512xf32> to vector<1x20x512xf32>
      %add3A_380 = arith.addf %get3A_378, %broadcast_in_dim3A_379 : vector<1x20x512xf32>
      %swap3A = arith.constant 0 : index
      %swap3A_381 = arith.constant 0 : index
      %swap3A_382 = arith.constant 0 : index
      %swap3A_383 = vector.load %arg4[%swap3A, %swap3A_381, %swap3A_382] : memref<1x20x512xf32, #tpu.memory_space<vmem>>, vector<1x20x512xf32>
      tpu.vector_store %arg4[%swap3A, %swap3A_381, %swap3A_382], %add3A_380 {strides = array<i32>} : memref<1x20x512xf32, #tpu.memory_space<vmem>>, vector<1x20x512xf32>,
    } else {
    }
    return
  }
  func.func @transform_0(%arg0: i32, %arg1: i32) -> (i32, i32, i32, i32) {
    %c0_i32 = arith.constant 0 : i32
    %c0_i32_0 = arith.constant 0 : i32
    %c0_i32_1 = arith.constant 0 : i32
    return %arg0, %arg1, %c0_i32, %c0_i32_0 : i32, i32, i32, i32
  }
  func.func @transform_1(%arg0: i32, %arg1: i32) -> (i32, i32, i32, i32) {
    %c0_i32 = arith.constant 0 : i32
    %c0_i32_0 = arith.constant 0 : i32
    %c0_i32_1 = arith.constant 0 : i32
    return %arg0, %arg1, %c0_i32, %c0_i32_0 : i32, i32, i32, i32
  }
  func.func @transform_2(%arg0: i32, %arg1: i32) -> (i32, i32, i32) {
    %c0_i32 = arith.constant 0 : i32
    %c0_i32_0 = arith.constant 0 : i32
    %c0_i32_1 = arith.constant 0 : i32
    return %arg0, %c0_i32, %c0_i32_0 : i32, i32, i32
  }
}

module attributes {stable_mosaic.version = 14 : i64} {
  func.func @_fin_body(%arg0: memref<8x20x512xf32, #tpu.memory_space<vmem>>, %arg1: memref<8x512xi32, #tpu.memory_space<vmem>>, %arg2: memref<8x512xf32, #tpu.memory_space<vmem>>, %arg3: memref<1x1xf32, #tpu.memory_space<smem>>) attributes {dimension_semantics = [], scalar_prefetch = 0 : i64, scratch_operands = 0 : i64, tpu.core_type = #tpu.core_type<tc>} {
    %get3A = arith.constant 0 : index
    %get3A_0 = arith.constant 0 : index
    %get3A_1 = arith.constant 0 : index
    %get3A_2 = vector.load %arg0[%get3A, %get3A_0, %get3A_1] : memref<8x20x512xf32, #tpu.memory_space<vmem>>, vector<8x20x512xf32>
    %neg3A = arith.constant 0.000000e+00 : f32
    %neg3A_3 = vector.broadcast %neg3A : f32 to vector<8x20x512xf32>
    %neg3A_4 = arith.subf %neg3A_3, %get3A_2 : vector<8x20x512xf32>
    %reduce_max3A = arith.constant dense<0xFF800000> : vector<8x512xf32>
    %reduce_max3A_5 = vector.multi_reduction <maximumf>, %neg3A_4, %reduce_max3A [1] : vector<8x20x512xf32> to vector<8x512xf32>
    %broadcast_in_dim3A = vector.shape_cast %reduce_max3A_5 : vector<8x512xf32> to vector<8x1x512xf32>
    %sub3A = vector.broadcast %broadcast_in_dim3A : vector<8x1x512xf32> to vector<8x20x512xf32>
    %sub3A_6 = arith.subf %neg3A_4, %sub3A : vector<8x20x512xf32>
    %exp3A = math.exp %sub3A_6 : vector<8x20x512xf32>
    %reduce_sum3A = arith.constant dense<0.000000e+00> : vector<8x512xf32>
    %reduce_sum3A_7 = vector.multi_reduction <add>, %exp3A, %reduce_sum3A [1] : vector<8x20x512xf32> to vector<8x512xf32>
    %log3A = math.log %reduce_sum3A_7 : vector<8x512xf32>
    %squeeze3A = vector.shape_cast %broadcast_in_dim3A : vector<8x1x512xf32> to vector<8x512xf32>
    %add3A = arith.addf %log3A, %squeeze3A : vector<8x512xf32>
    %get3A_8 = arith.constant 0 : index
    %get3A_9 = arith.constant 0 : index
    %get3A_10 = vector.load %arg1[%get3A_8, %get3A_9] : memref<8x512xi32, #tpu.memory_space<vmem>>, vector<8x512xi32>
    %iota3A = tpu.iota {dimensions = array<i32: 1>} : vector<8x20x512xi32>
    %broadcast_in_dim3A_11 = vector.shape_cast %get3A_10 : vector<8x512xi32> to vector<8x1x512xi32>
    %eq3A = vector.broadcast %broadcast_in_dim3A_11 : vector<8x1x512xi32> to vector<8x20x512xi32>
    %eq3A_12 = arith.cmpi eq, %iota3A, %eq3A : vector<8x20x512xi32>
    %jit3A = arith.constant 0.000000e+00 : f32
    %broadcast_in_dim3A_13 = vector.broadcast %jit3A : f32 to vector<8x20x512xf32>
    %select_n3A = arith.select %eq3A_12, %neg3A_4, %broadcast_in_dim3A_13 : vector<8x20x512xi1>, vector<8x20x512xf32>
    %reduce_sum3A_14 = arith.constant dense<0.000000e+00> : vector<8x512xf32>
    %reduce_sum3A_15 = vector.multi_reduction <add>, %select_n3A, %reduce_sum3A_14 [1] : vector<8x20x512xf32> to vector<8x512xf32>
    %get3A_16 = arith.constant 0 : index
    %get3A_17 = arith.constant 0 : index
    %get3A_18 = vector.load %arg2[%get3A_16, %get3A_17] : memref<8x512xf32, #tpu.memory_space<vmem>>, vector<8x512xf32>
    %sub3A_19 = arith.subf %reduce_sum3A_15, %add3A : vector<8x512xf32>
    %mul3A = arith.mulf %sub3A_19, %get3A_18 : vector<8x512xf32>
    %reduce_sum3A_20 = arith.constant dense<0.000000e+00> : vector<8xf32>
    %reduce_sum3A_21 = vector.multi_reduction <add>, %mul3A, %reduce_sum3A_20 [1] : vector<8x512xf32> to vector<8xf32>
    %broadcast_in_dim3A_22 = vector.shape_cast %reduce_sum3A_21 : vector<8xf32> to vector<8x1xf32>
    %reduce_sum3A_23 = arith.constant dense<0.000000e+00> : vector<8xf32>
    %reduce_sum3A_24 = vector.multi_reduction <add>, %get3A_18, %reduce_sum3A_23 [1] : vector<8x512xf32> to vector<8xf32>
    %broadcast_in_dim3A_25 = vector.shape_cast %reduce_sum3A_24 : vector<8xf32> to vector<8x1xf32>
    %div3A = arith.divf %broadcast_in_dim3A_22, %broadcast_in_dim3A_25 : vector<8x1xf32>
    %reduce_sum3A_26 = vector.shape_cast %div3A : vector<8x1xf32> to vector<1x8x1xf32>
    %reduce_sum3A_27 = arith.constant dense<0.000000e+00> : vector<1xf32>
    %reduce_sum3A_28 = vector.multi_reduction <add>, %reduce_sum3A_26, %reduce_sum3A_27 [1, 2] : vector<1x8x1xf32> to vector<1xf32>
    %reduce_sum3A_29 = vector.shape_cast %reduce_sum3A_28 : vector<1xf32> to vector<1x1x1xf32>
    %reduce_sum3A_30 = vector.extract %reduce_sum3A_29[0, 0, 0] : f32 from vector<1x1x1xf32>
    %neg3A_31 = arith.constant 0.000000e+00 : f32
    %neg3A_32 = arith.subf %neg3A_31, %reduce_sum3A_30 : f32
    %div3A_33 = arith.constant 8.000000e+00 : f32
    %div3A_34 = arith.divf %neg3A_32, %div3A_33 : f32
    %swap3A = arith.constant 0 : index
    %swap3A_35 = arith.constant 0 : index
    %swap3A_36 = memref.load %arg3[%swap3A, %swap3A_35] : memref<1x1xf32, #tpu.memory_space<smem>>
    memref.store %div3A_34, %arg3[%swap3A, %swap3A_35] : memref<1x1xf32, #tpu.memory_space<smem>>
    return
  }
}

</mosaic_0001>

<sc_bundles>
// kernel: kernel.5.cloned.1.call-start
scs
__scs_entry_jumppad:
0x0: {  	(pc) =	sbr.rel $0x88, $3  }
0x1: {  	(tag) =	ssettag $0x0;
	lr =	simm.s32 $0x1  }
0x2: {  	[smem:$0x3F9D] =	sst lr;
	_ =	strace $0xD0000000  }
0x3: {  	_ = 	snop  }
0x4: {  	_ = 	snop  }
0x5: {  	_ = 	snop  }
0x6: {  	_ = 	snop  }
0x7: {  	_ = 	snop  }
__scs_overlays_trampoline_lowered:
0x8: {  	[smem:$0x3FAC] =	sst s0  }
0x9: {  	[smem:$0x3FAD] =	sst s1  }
0xa: {  	[smem:$0x3FAE] =	sst s2  }
0xb: {  	[smem:$0x3FAF] =	sst s3  }
0xc: {  	[smem:$0x3FB0] =	sst s4  }
0xd: {  	[smem:$0x3FB1] =	sst s5  }
0xe: {  	[smem:$0x3FB2] =	sst s6  }
0xf: {  	[smem:$0x3FB3] =	sst s7  }
0x10: {  	[smem:$0x3FB4] =	sst s8  }
0x11: {  	[smem:$0x3FB5] =	sst s9;
	s0 =	simm.s32 @!p0 $0x0  }
0x12: {  	s1 =	sld [smem:$0x3F9B];
	s0 =	simm.s32 @p0 $0x1  }
0x13: {  	[smem:$0x3FB6] =	sst s0;
	s0 =	simm.s32 @!p1 $0x0  }
0x14: {  	s2 =	sld [smem:$0x3F9A];
	s0 =	simm.s32 @p1 $0x1  }
0x15: {  	[smem:$0x3FB7] =	sst s0;
	s0 =	simm.s32 @!p2 $0x0  }
0x16: {  	s3 =	sld [smem:$0x3FDB];
	s0 =	simm.s32 @p2 $0x1  }
0x17: {  	s4 =	simm.s32 $0x1BF5;
	[smem:$0x3FB9] =	sst s0  }
0x18: {  	s0 =	sld [smem:$0x3F9C];
	_ =	swait.ge [sflag:s4], $0x0  }
0x19: {  	s7 =	sld [smem:$0x3F9D]  }
0x1a: {  	s8 =	sadd.s32 $0xFFFFE003, lr  }
0x1b: {  	s9 =	sadd.s32 $0xFFFFFEF7, lr;
	s5 =	simm.s32 $0xFFFFFFFF;
	p2 =	slt.u32 s8, $0xFFFFF086  }
0x1c: {  	p1 =	slt.u32 s9, $0xF7A;
	s5 =	simm.s32 @!p2 $0x0  }
0x1d: {  	s5 =	simm.s32 @p1 $0x1;
	p0 =	seq.s32 s7, s2  }
0x1e: {  	s7 =	smul.u32 @!p0 $0xF7A, s2;
	p2 =	seq.s32 @!p0 s5, $0x0  }
0x1f: {  	s9 =	smul.u32 $0xF7A, s1;
	s8 =	simm.s32 @!p0 $0x1BF5;
	p2 =	por !p2, p0  }
0x20: {  	[sflag:s8] =	ssyncset.s32 @!p0 $0xFFFFF086;
	s6 =	sadd.s32 @!p0 s3, s7;
	s7 =	simm.s32 @!p0 $0x108  }
0x21: {  	s3 =	sadd.s32 s3, s9;
	s6 =	sadd.s32 @!p0 $0x88, s6;
	s7 =	simm.s32 @p2 $0x1082  }
0x22: {  	[simem:s7], [sflag:s8] =	dma.local @!p0 [hbm:s6], $0xF7A  }
0x23: {  	s9 =	sor.u32 $0xD0000000, s2;
	s6 =	simm.s32 $0x108;
	_ =	swait.ge @!p0 [sflag:s8], $0x0  }
0x24: {  	s3 =	sadd.s32 $0x88, s3;
	s6 =	simm.s32 @!p1 $0x1082;
	[sflag:s4] =	ssyncset.s32 $0xFFFFF086  }
0x25: {  	[simem:s6], [sflag:s4] =	dma.local [hbm:s3], $0xF7A  }
0x26: {  	[smem:$0x3F9D] =	sst s1;
	(tag) =	ssettag s2;
	_ =	strace s9  }
0x27: {  	s1 =	sld [smem:$0x3FAD]  }
0x28: {  	s2 =	sld [smem:$0x3FAE]  }
0x29: {  	s4 =	sld [smem:$0x3FB0]  }
0x2a: {  	p0 =	seq.s32 s5, $0x0;
	s5 =	sld [smem:$0x3FB1]  }
0x2b: {  	s6 =	sld [smem:$0x3FB2]  }
0x2c: {  	s7 =	sld [smem:$0x3FB3]  }
0x2d: {  	s3 =	simm.s32 $0x108;
	s8 =	sld [smem:$0x3FB4]  }
0x2e: {  	s3 =	simm.s32 @!p0 $0x1082;
	s9 =	sld [smem:$0x3FB5]  }
0x2f: {  	lr =	sadd.s32 s0, s3;
	s0 =	sld [smem:$0x3FAC]  }
0x30: {  	s3 =	sld [smem:$0x3FAF]  }
0x31: {  	[smem:$0x3FB8] =	sst s10  }
0x32: {  	s10 =	sld [smem:$0x3FB6];
	_ =	sdelay $0x3  }
0x33: {  	p0 =	seq.s32 s10, $0x1;
	s10 =	sld [smem:$0x3FB8];
	_ =	sdelay $0x3  }
0x34: {  	[smem:$0x3FB8] =	sst s10  }
0x35: {  	s10 =	sld [smem:$0x3FB7];
	_ =	sdelay $0x3  }
0x36: {  	p1 =	seq.s32 s10, $0x1;
	s10 =	sld [smem:$0x3FB8];
	_ =	sdelay $0x3  }
0x37: {  	[smem:$0x3FB8] =	sst s10  }
0x38: {  	s10 =	sld [smem:$0x3FB9]  }
0x39: {  	_ = 	snop;
	(pc) =	sbr.ind lr, $3  }
0x3a: {  	_ = 	snop  }
0x3b: {  	_ = 	snop  }
0x3c: {  	p2 =	seq.s32 s10, $0x1;
	s10 =	sld [smem:$0x3FB8]  }
0x3d: {  	_ =	shalt  }
0x3e: {  	_ =	shalt  }
0x3f: {  	_ =	shalt  }
0x40: {  	_ =	shalt  }
0x41: {  	_ =	shalt  }
0x42: {  	_ =	shalt  }
0x43: {  	_ =	shalt  }
0x44: {  	_ =	shalt  }
0x45: {  	_ =	shalt  }
0x46: {  	_ =	shalt  }
0x47: {  	_ =	shalt  }
0x48: {  	_ =	shalt  }
0x49: {  	_ =	shalt  }
0x4a: {  	_ =	shalt  }
0x4b: {  	_ =	shalt  }
0x4c: {  	_ =	shalt  }
0x4d: {  	_ =	shalt  }
0x4e: {  	_ =	shalt  }
0x4f: {  	_ =	shalt  }
0x50: {  	_ =	shalt  }
0x51: {  	_ =	shalt  }
0x52: {  	_ =	shalt  }
0x53: {  	_ =	shalt  }
0x54: {  	_ =	shalt  }
0x55: {  	_ =	shalt  }
0x56: {  	_ =	shalt  }
0x57: {  	_ =	shalt  }
0x58: {  	_ =	shalt  }
0x59: {  	_ =	shalt  }
0x5a: {  	_ =	shalt  }
0x5b: {  	_ =	shalt  }
0x5c: {  	_ =	shalt  }
0x5d: {  	_ =	shalt  }
0x5e: {  	_ =	shalt  }
0x5f: {  	_ =	shalt  }
0x60: {  	_ =	shalt  }
0x61: {  	_ =	shalt  }
0x62: {  	_ =	shalt  }
0x63: {  	_ =	shalt  }
0x64: {  	_ =	shalt  }
0x65: {  	_ =	shalt  }
0x66: {  	_ =	shalt  }
0x67: {  	_ =	shalt  }
0x68: {  	_ =	shalt  }
0x69: {  	_ =	shalt  }
0x6a: {  	_ =	shalt  }
0x6b: {  	_ =	shalt  }
0x6c: {  	_ =	shalt  }
0x6d: {  	_ =	shalt  }
0x6e: {  	_ =	shalt  }
0x6f: {  	_ =	shalt  }
0x70: {  	_ =	shalt  }
0x71: {  	_ =	shalt  }
0x72: {  	_ =	shalt  }
0x73: {  	_ =	shalt  }
0x74: {  	_ =	shalt  }
0x75: {  	_ =	shalt  }
0x76: {  	_ =	shalt  }
0x77: {  	_ =	shalt  }
0x78: {  	_ =	shalt  }
0x79: {  	_ =	shalt  }
0x7a: {  	_ =	shalt  }
0x7b: {  	_ =	shalt  }
0x7c: {  	_ =	shalt  }
0x7d: {  	_ =	shalt  }
0x7e: {  	_ =	shalt  }
0x7f: {  	_ =	shalt  }
0x80: {  	_ =	shalt  }
0x81: {  	_ =	shalt  }
0x82: {  	_ =	shalt  }
0x83: {  	_ =	shalt  }
0x84: {  	_ =	shalt  }
0x85: {  	_ =	shalt  }
0x86: {  	_ =	shalt  }
0x87: {  	_ =	shalt  }
.Lfunc_end0:
.L_simem_size_0:
called_computation_lowered:
.L_overlay_start_0:
0x88: {  	s0 =	sld [smem:$0x3FD9]  }
0x89: {  	s1 =	sld [smem:$0x3FFE];
	_ =	sdelay $0x3  }
0x8a: {  	s0 =	sadd.s32 s1, s0  }
0x8b: {  	[smem:$0x3FC4] =	sst s0  }
0x8c: {  	_ = 	snop  }
0x8d: {  	(tm) =	ssettm $0x1  }
0x8e: {  	s15 =	sld [smem:$0x3FFB];
	_ =	sdelay $0x3  }
0x8f: {  	_ =	strace s15  }
0x90: {  	s0 =	sld [smem:$0x3FFC];
	_ =	sdelay $0x3  }
0x91: {  	_ =	strace s0  }
0x92: {  	s0 =	sld [smem:$0x3FFD];
	_ =	sdelay $0x3  }
0x93: {  	_ =	strace s0  }
0x94: {  	_ =	strace $0x8FFFFFFF  }
0x95: {  	s16 =	sld [smem:$0x3FDB];
	_ =	sdelay $0x1  }
0x96: {  	s17 =	simm.s32 $_scs_section_size  }
0x97: {  	s2 =	simm.s32 $_size__tile_overlayer_lowered;
	s3 =	simm.s32 $_tile_overlayer_lowered  }
0x98: {  	s20 =	simm.s32 $0x1BFF;
	s19 =	sshll.u32 s3, $0x1;
	s0 =	sadd.s32 s17, s16  }
0x99: {  	s4 =	simm.s32 $0x0;
	s18 =	sshll.u32 s2, $0x1;
	s2 =	sadd.s32 s19, s0  }
0x9a: {  	[timem:s4], [sflag:s20] =	dma.local [hbm:s2], s18  }
0x9b: {  	_ =	swait.ge [sflag:s20], s18  }
0x9c: {  	s1 =	ssub.s32 $0x0, s18;
	[sflag:s20] =	ssyncset.done $0x0  }
0x9d: {  	[sflag:s20] =	ssyncadd.s32 s1;
	_ =	sdelay $0x1  }
0x9e: {  	s21 =	simm.s32 $0x1B8B  }
0x9f: {  	_ =	swait.ge [sflag:s21], $0x1  }
0xa0: {  	[sflag:s21] =	ssyncset.done $0x0  }
0xa1: {  	s23 =	simm.s32 $0x1B8E;
	s22 =	sld [smem:$0x3FFE];
	[sflag:s21] =	ssyncadd.s32 $0xFFFFFFFF  }
0xa2: {  	s24 =	simm.s32 $execute0_lowered;
	[smem:$0x3FD2] =	sst s23  }
0xa3: {  	s2 =	sshll.u32 s24, $0x1;
	_ =	strace $0x80000046;
	[dreg:$0x1] =	wrdreg $0xFFFFFFFF  }
0xa4: {  	s25 =	simm.s32 $_size_execute0_lowered;
	s0 =	sadd.s32 s0, s2;
	[dreg:$0x0] =	wrdreg $0x0  }
0xa5: {  	s2 =	sshll.u32 s25, $0x1;
	[dreg:$0x2] =	wrdreg s0  }
0xa6: {  	[dreg:$0x3] =	wrdreg s2  }
0xa7: {  	[dreg:$0x4] =	wrdreg $0xC0  }
0xa8: {  	_ =	task [dreg:s4], $0x5FFFF  }
0xa9: {  	[dreg:$0x1] =	wrdreg $0xFFFFFFFF  }
0xaa: {  	[dreg:$0x0] =	wrdreg $0x60  }
0xab: {  	[dreg:$0x2] =	wrdreg s22  }
0xac: {  	[dreg:$0x3] =	wrdreg $0x9  }
0xad: {  	_ =	task.clear_ibuf [dreg:s4], $0x4FFFF;
	_ =	strace $0x90000046  }
0xae: {  	s26 =	simm.s32 $0x9;
	_ =	strace $0x80000048  }
0xaf: {  	_ =	swait.ge [sflag:s26], $0x1  }
0xb0: {  	[sflag:s26] =	ssyncadd.s32 $0xFFFFFFFF  }
0xb1: {  	_ =	strace $0x90000048  }
0xb2: {  	_ =	sfence  }
0xb3: {  	s28 =	sld [smem:$0x0];
	_ =	sdelay $0x1  }
0xb4: {  	s29 =	srdreg.scid  }
0xb5: {  	s30 =	sshll.u32 s29, $0xD;
	s31 =	sshrl.u32 s29, $0x2  }
0xb6: {  	s1 =	sand.u32 $0x1, s29;
	s2 =	sand.u32 $0x4000, s30;
	s0 =	sadd.s32 s31, s28  }
0xb7: {  	s1 =	sor.u32 s2, s1;
	s0 =	sshll.u32 s0, $0x11  }
0xb8: {  	s0 =	sor.u32 s0, s1  }
0xb9: {  	s0 =	sadd.s32 $0x8F2B, s0  }
0xba: {  	[sflag:s0] =	ssyncadd.remote.s32 $0x1  }
0xbb: {  	_ =	sfence.sel $0xFFFF  }
0xbc: {  	[dreg:$0x0] =	wrdreg $0xFFFFFFFF;
	(pc) =	sbr.abs _section_cstart, $3  }
0xbd: {  	[dreg:$0x1] =	wrdreg $0xFFFFFFFF  }
0xbe: {  	_ =	task.clear_ibuf [dreg:s4], $0x2FFFF;
	_ =	strace $0x9FFFFFFF  }
0xbf: {  	(tm) =	ssettm $0x7FFFFFFF  }
tec
execute0_lowered:
.L_overlay_start_1:
0x0: {  	(tag) =	ssettag $0x1  }
0x1: {  	s0 =	stileid.u32  }
0x2: {  	s5 =	rddreg [dreg:$0x0];
	s3 =	smul.u32 $0x3C0, s0  }
0x3: {  	s1 =	rddreg [dreg:$0x1];
	s2 =	simm.s32 $0x0  }
0x4: {  	[smem:$0x7FF] =	sst s2;
	s3 =	sadd.s32 s3, s5  }
0x5: {  	s6 =	simm.s32 $0x1;
	_ =	strace $0x80000047;
	s3 =	sadd.s32 $0x800, s3  }
0x6: {  	[tilespmem:s2], [sflag:$0x1] =	stream.linear.gather [hbm4b:s3+s2], $0x1E00, $0x38;
	[tilespmem:$0x4E00] =	vst v63  }
0x7: {  	_ =	swait.ge [sflag:s6], $0x1E00  }
0x8: {  	[sflag:s6] =	ssyncset.done $0x0  }
0x9: {  	s4 =	simm.s32 $0x1E00;
	s31 =	sadd.s32 $0x4400, s5;
	[sflag:s6] =	ssyncadd.s32 $0xFFFFE200  }
0xa: {  	[tilespmem:s4], [sflag:$0x1] =	stream.linear.gather [hbm4b:s31+s2], $0x1000, $0x38;
	[tilespmem:$0x4E00] =	vst v63  }
0xb: {  	s3 =	sshrl.u32 s0, $0x1;
	_ =	swait.ge [sflag:s6], $0x1000  }
0xc: {  	v1 =	vlaneseq.u32;
	s7 =	sshll.u32 s3, $0x9;
	[sflag:s6] =	ssyncset.done $0x0  }
0xd: {  	v1 =	vmul.u32 $0x1E, v1;
	s5 =	sadd.s32 $0x4600, s5;
	v0 =	vmov s7;
	[sflag:s6] =	ssyncadd.s32 $0xFFFFF000;
	s6 =	simm.s32 $0x0  }
.LBB2_1:
0xe: {  	v2 =	vmov s2  }
0xf: {  	v3 =	vmul.u32 $0x1E, v2  }
0x10: {  	v2 =	vmov s6  }
0x11: {  	v3 =	vadd.s32 v2, v3  }
0x12: {  	v3 =	vbroadcast v3, $0x0;
	_ =	sdelay $0x1  }
0x13: {  	v3 =	vadd.s32 v1, v3;
	_ =	sdelay $0x4  }
0x14: {  	v3 =	vld.idx.msk [tilespmem:v3+s2+$0x0], $0xffff;
	_ =	sdelay $0x3  }
0x15: {  	s7 =	simm.s32 $0x10  }
0x16: {  	v4 =	vmov s7;
	v3 =	vadd.s32 v0, v3  }
0x17: {  	v4 =	vmul.u32 $0x1E, v4;
	_ =	sdelay $0x1  }
0x18: {  	v4 =	vadd.s32 v2, v4  }
0x19: {  	s8 =	sshll.u32 s6, $0x8;
	s9 =	sshll.u32 s6, $0x7;
	v4 =	vbroadcast v4, $0x0  }
0x1a: {  	s8 =	sand.u32 $0x1800, s8;
	s9 =	sand.u32 $0x380, s9;
	v3 =	vld.idx.msk [tilespmem:v3+s4+$0x0], $0xffff  }
0x1b: {  	s8 =	sor.u32 s9, s8;
	v4 =	vadd.s32 v1, v4  }
0x1c: {  	s31 =	sand.u32 $0x400, s2;
	s8 =	sadd.s32 $0x2E00, s8  }
0x1d: {  	s10 =	sand.u32 $0x70, s2;
	s9 =	sadd.s32 s31, s8  }
0x1e: {  	s9 =	sadd.s32 s10, s9  }
0x1f: {  	[tilespmem:s9+$0x0] =	vst v3  }
0x20: {  	v3 =	vld.idx.msk [tilespmem:v4+s2+$0x0], $0xffff;
	_ =	sdelay $0x4  }
0x21: {  	s9 =	simm.s32 $0x20;
	v3 =	vadd.s32 v0, v3  }
0x22: {  	s11 =	simm.s32 $0x30;
	s10 =	simm.s32 $0x0;
	v4 =	vmov s9  }
.LBB2_2:
0x23: {  	p0 =	sne.s32 s11, $0xF0;
	v4 =	vmul.u32 $0x1E, v4;
	_ =	sdelay $0x1  }
0x24: {  	v4 =	vadd.s32 v2, v4  }
0x25: {  	v4 =	vbroadcast v4, $0x0;
	v3 =	vld.idx.msk [tilespmem:v3+s4+$0x0], $0xffff;
	_ =	sdelay $0x1  }
0x26: {  	s10 =	sadd.s32 $0x80, s10;
	v4 =	vadd.s32 v1, v4  }
0x27: {  	s12 =	sand.u32 $0x400, s10  }
0x28: {  	s13 =	sand.u32 $0x70, s7;
	s7 =	smov.u32 s9;
	s12 =	sadd.s32 s12, s8  }
0x29: {  	s9 =	smov.u32 s11;
	s12 =	sadd.s32 s13, s12  }
0x2a: {  	[tilespmem:s12+$0x0] =	vst v3  }
0x2b: {  	v3 =	vld.idx.msk [tilespmem:v4+s2+$0x0], $0xffff;
	_ =	sdelay $0x2  }
.Ltmp0:
0x2c: {  	(pc) =	sbr.rel @p0 .LBB2_2-.Ltmp0, $3  }
0x2d: {  	_ =	sdelay $0x1  }
0x2e: {  	v3 =	vadd.s32 v0, v3  }
0x2f: {  	s11 =	sadd.s32 $0x10, s11;
	v4 =	vmov s9  }
0x30: {  	v4 =	vmul.u32 $0x1E, v4;
	_ =	sdelay $0x1  }
0x31: {  	v2 =	vadd.s32 v2, v4  }
0x32: {  	v2 =	vbroadcast v2, $0x0  }
0x33: {  	v3 =	vld.idx.msk [tilespmem:v3+s4+$0x0], $0xffff  }
0x34: {  	s10 =	sadd.s32 $0x80, s10;
	v2 =	vadd.s32 v1, v2  }
0x35: {  	s11 =	sand.u32 $0x400, s10  }
0x36: {  	s7 =	sand.u32 $0x70, s7;
	s11 =	sadd.s32 s11, s8  }
0x37: {  	s7 =	sadd.s32 s7, s11  }
0x38: {  	[tilespmem:s7+$0x0] =	vst v3  }
0x39: {  	v2 =	vld.idx.msk [tilespmem:v2+s2+$0x0], $0xffff;
	_ =	sdelay $0x4  }
0x3a: {  	v2 =	vadd.s32 v0, v2;
	_ =	sdelay $0x3  }
0x3b: {  	s6 =	sadd.s32 $0x1, s6  }
0x3c: {  	p0 =	sne.s32 s6, $0x1E;
	v2 =	vld.idx.msk [tilespmem:v2+s4+$0x0], $0xffff  }
.Ltmp1:
0x3d: {  	s31 =	sadd.s32 $0x80, s10;
	(pc) =	sbr.rel @p0 .LBB2_1-.Ltmp1, $4  }
0x3e: {  	s7 =	sand.u32 $0x400, s31  }
0x3f: {  	s9 =	sand.u32 $0x70, s9;
	s7 =	sadd.s32 s7, s8  }
0x40: {  	s7 =	sadd.s32 s9, s7  }
0x41: {  	[tilespmem:s7+$0x0] =	vst v2  }
0x42: {  	s2 =	sshll.u32 s0, $0x8  }
0x43: {  	s3 =	sshll.u32 s3, $0xB;
	s2 =	sand.u32 $0x100, s2  }
0x44: {  	s29 =	simm.s32 $0x800;
	s4 =	simm.s32 $0x1000;
	s2 =	sadd.s32 s5, s2  }
0x45: {  	s30 =	simm.s32 $0x2E00;
	s31 =	simm.s32 $0x1;
	s2 =	sadd.s32 s3, s2  }
0x46: {  	[hbm4b:s2+s29] =	stream.strided.scatter [tilespmem:s30], [sflag:$0x1], $0x2000, s4, s29, $0x38;
	[tilespmem:$0x4E00] =	vst v63  }
0x47: {  	_ =	swait.ge [sflag:s31], $0x2000  }
0x48: {  	[sflag:s31] =	ssyncset.done $0x0  }
0x49: {  	[sflag:s31] =	ssyncadd.s32 $0xFFFFE000  }
0x4a: {  	_ =	sfence.sel $0x180000  }
0x4b: {  	[bflag:$0x0] =	sbarrier.arrive $0xFFFF  }
0x4c: {  	p0 =	sne.s32 s0, $0x0;
	_ =	strace $0x90000047  }
0x4d: {  	s0 =	sadd.s32 @!p0 $0x100000, s1;
	[bflag:$0x2] =	sbarrier.arrive $0xFFFF  }
0x4e: {  	[sflag:s0] =	ssyncadd.tile.s32 @!p0 $0x1;
	_ =	shalt  }
.Lfunc_end2:
_tile_overlayer_lowered:
.L_overlay_start_2:
0x4f: {  	(tag) =	ssettag $0x2  }
0x50: {  	s0 =	rddreg [dreg:$0x0];
	s2 =	stileid.u32  }
0x51: {  	s1 =	rddreg [dreg:$0x1];
	p0 =	sne.s32 s2, $0x0  }
0x52: {  	s3 =	rddreg [dreg:$0x2];
	[bflag:$0x3] =	sbarrier.arrive $0xFFFF;
	s2 =	simm.s32 @!p0 $0x1C01  }
0x53: {  	[timem:s3], [sflag:s2] =	dma.local @!p0 [hbm:s0], s1  }
0x54: {  	s0 =	simm.s32 @!p0 $0x1  }
0x55: {  	_ =	swait.ge @!p0 [sflag:s0], s1  }
0x56: {  	s1 =	ssub.s32 @!p0 $0x0, s1;
	[sflag:s0] =	ssyncset.done @!p0 $0x0  }
0x57: {  	[sflag:s0] =	ssyncadd.s32 @!p0 s1  }
0x58: {  	[bflag:$0x3] =	sbarrier.arrive $0xFFFF  }
0x59: {  	_ =	shalt  }

</sc_bundles>
